<compile_context>
chip_gen: v7x
topology: tpu7x:2x2x1
jax: 0.10.2.dev20260603
libtpu: 0.0.44.dev20260713+nightly
codegen_flags: <defaults>
</compile_context>

<pallas_src>
import jax
import jax.numpy as jnp
from jax.experimental import pallas as pl

_EPS = 1e-12
_CD = 256
_D = 768


def _out_proj_body(ze_ref, zq_ref, vout_ref, gout_ref, bout_ref, out_ref,
                   sq_ref):
    v = vout_ref[...]
    norm = jnp.sqrt(jnp.sum(v * v, axis=0, keepdims=True))
    w = gout_ref[...] * v / jnp.maximum(norm, _EPS)
    ze = ze_ref[0]
    zq = zq_ref[0]
    qst = ze + (zq - ze)
    out_ref[...] = (jnp.dot(qst, w, preferred_element_type=jnp.float32)
                    + bout_ref[...])[None]
    d = ze - zq
    sq_ref[...] = jnp.sum(d * d, axis=0, keepdims=True)[None]


def _out_proj_pass(ze3, zq3, v_out, g_out, b_out):
    B, T, _ = ze3.shape
    return pl.pallas_call(
        _out_proj_body,
        grid=(B,),
        in_specs=[
            pl.BlockSpec((1, T, _CD), lambda b: (b, 0, 0)),
            pl.BlockSpec((1, T, _CD), lambda b: (b, 0, 0)),
            pl.BlockSpec((_CD, _D), lambda b: (0, 0)),
            pl.BlockSpec((1, _D), lambda b: (0, 0)),
            pl.BlockSpec((1, _D), lambda b: (0, 0)),
        ],
        out_specs=[
            pl.BlockSpec((1, T, _D), lambda b: (b, 0, 0)),
            pl.BlockSpec((1, 1, _CD), lambda b: (b, 0, 0)),
        ],
        out_shape=[
            jax.ShapeDtypeStruct((B, T, _D), jnp.float32),
            jax.ShapeDtypeStruct((B, 1, _CD), jnp.float32),
        ],
    )(ze3, zq3, v_out, g_out, b_out)


def kernel(z, v_in, g_in, b_in, v_out, g_out, b_out, codebook):
    B, T, D = z.shape

    norm_in = jnp.sqrt(jnp.sum(v_in * v_in, axis=0, keepdims=True))
    w_in = g_in[None, :] * v_in / jnp.maximum(norm_in, _EPS)
    z_e = jnp.einsum('btd,dc->btc', z, w_in) + b_in
    encodings = z_e.reshape(B * T, _CD)
    den_e = jnp.maximum(_EPS, jnp.linalg.norm(encodings, ord=2, axis=1,
                                              keepdims=True))
    enc_n = encodings / den_e
    den_c = jnp.maximum(_EPS, jnp.linalg.norm(codebook, ord=2, axis=1,
                                              keepdims=True))
    cb_n = codebook / den_c
    dist = (jnp.square(enc_n).sum(1, keepdims=True)
            - 2.0 * enc_n @ cb_n.T
            + jnp.square(cb_n).sum(1, keepdims=True).T)
    indices = jnp.argmax(-dist, axis=1).reshape(B, T)

    zq3 = jnp.take(codebook, indices, axis=0)
    out, sq = _out_proj_pass(z_e, zq3, v_out, g_out[None, :], b_out[None, :])

    loss = jnp.sum(sq, axis=(1, 2)) / jnp.float32(T * _CD)
    return (out, loss, loss, indices, z_e)

# --- scband reference (transcript-rebuilt; emitter-appended) ---
"""Pipeline reference for scband-vector-quantize-84301618086202 (READ-ONLY COPY).

The authoritative reference and input builder live on the scoring server;
editing this copy changes nothing except your own understanding.
"""

import jax, jax.numpy as jnp
import numpy as np


def _normalize(x, axis=1, eps=1e-12):
    denom = jnp.linalg.norm(x, ord=2, axis=axis, keepdims=True)
    denom = jnp.maximum(eps, denom)
    return x / denom


def _wn_weight(v, g, eps=1e-12):
    # weight-normalized 1x1 conv kernel; v: [in, out], g: [out]
    norm = jnp.sqrt(jnp.sum(v * v, axis=0, keepdims=True))
    return g[None, :] * v / jnp.maximum(norm, eps)


def setup_inputs(seed: int = 0) -> dict:
    key = jax.random.key(seed)
    ks = jax.random.split(key, 8)
    B, T, D, Cd, K = 16, 576, 768, 256, 8192
    z = jax.random.normal(ks[0], (B, T, D), dtype=jnp.float32)
    v_in = jax.random.normal(ks[1], (D, Cd), dtype=jnp.float32) * 0.02
    g_in = jax.random.uniform(ks[2], (Cd,), dtype=jnp.float32, minval=0.5, maxval=1.5)
    b_in = jnp.zeros((Cd,), dtype=jnp.float32)
    v_out = jax.random.normal(ks[3], (Cd, D), dtype=jnp.float32) * 0.02
    g_out = jax.random.uniform(ks[4], (D,), dtype=jnp.float32, minval=0.5, maxval=1.5)
    b_out = jnp.zeros((D,), dtype=jnp.float32)
    codebook = jax.random.normal(ks[5], (K, Cd), dtype=jnp.float32)
    return {"z": z, "v_in": v_in, "g_in": g_in, "b_in": b_in,
            "v_out": v_out, "g_out": g_out, "b_out": b_out, "codebook": codebook}


def reference(z, v_in, g_in, b_in, v_out, g_out, b_out, codebook):
    # in_proj: weight-normalized 1x1 conv == linear over last dim
    w_in = _wn_weight(v_in, g_in)
    z_e = jnp.einsum('btd,dc->btc', z, w_in) + b_in  # [B, T, Cd]

    # decode_latents
    B, T, Cd = z_e.shape
    encodings = z_e.reshape(B * T, Cd)
    enc_n = _normalize(encodings, axis=1)
    cb_n = _normalize(codebook, axis=1)
    dist = (jnp.square(enc_n).sum(1, keepdims=True)
            - 2.0 * enc_n @ cb_n.T
            + jnp.square(cb_n).sum(1, keepdims=True).T)
    indices = jnp.argmax(-dist, axis=1).reshape(B, T)  # [B, T]
    z_q = jnp.take(codebook, indices, axis=0)  # [B, T, Cd]

    commitment_loss = jnp.mean((z_e - jax.lax.stop_gradient(z_q)) ** 2, axis=(1, 2))
    codebook_loss = jnp.mean((z_q - jax.lax.stop_gradient(z_e)) ** 2, axis=(1, 2))

    # straight-through estimator
    z_q_st = z_e + jax.lax.stop_gradient(z_q - z_e)

    # out_proj
    w_out = _wn_weight(v_out, g_out)
    out = jnp.einsum('btc,cd->btd', z_q_st, w_out) + b_out  # [B, T, D]
    return (out, commitment_loss, codebook_loss, indices, z_e)

if __name__ == "__main__":
    import jax
    _d = setup_inputs()
    print(jax.jit(kernel)(*tuple(_d.values())))

</pallas_src>

<mosaic_0001>
module attributes {stable_mosaic.version = 14 : i64} {
  func.func @_out_proj_body(%arg0: i32, %arg1: memref<1x576x256xf32, #tpu.memory_space<vmem>>, %arg2: memref<1x576x256xf32, #tpu.memory_space<vmem>>, %arg3: memref<256x768xf32, #tpu.memory_space<vmem>>, %arg4: memref<1x768xf32, #tpu.memory_space<vmem>>, %arg5: memref<1x768xf32, #tpu.memory_space<vmem>>, %arg6: memref<1x576x768xf32, #tpu.memory_space<vmem>>, %arg7: memref<1x1x256xf32, #tpu.memory_space<vmem>>) attributes {dimension_semantics = [#tpu.dimension_semantics<arbitrary>], iteration_bounds = array<i64: 16>, scalar_prefetch = 0 : i64, scratch_operands = 0 : i64, tpu.core_type = #tpu.core_type<tc>, window_params = [{transform_indices = @transform_0, window_bounds = array<i64: 1, 576, 256>}, {transform_indices = @transform_1, window_bounds = array<i64: 1, 576, 256>}, {pipeline_mode = #tpu.pipeline_mode<synchronous>, transform_indices = @transform_2, window_bounds = array<i64: 256, 768>}, {pipeline_mode = #tpu.pipeline_mode<synchronous>, transform_indices = @transform_3, window_bounds = array<i64: 1, 768>}, {pipeline_mode = #tpu.pipeline_mode<synchronous>, transform_indices = @transform_4, window_bounds = array<i64: 1, 768>}, {transform_indices = @transform_5, window_bounds = array<i64: 1, 576, 768>}, {transform_indices = @transform_6, window_bounds = array<i64: 1, 1, 256>}]} {
    %get3A = arith.constant 0 : index
    %get3A_0 = arith.constant 0 : index
    %get3A_1 = vector.load %arg3[%get3A, %get3A_0] : memref<256x768xf32, #tpu.memory_space<vmem>>, vector<256x768xf32>
    %mul3A = arith.mulf %get3A_1, %get3A_1 : vector<256x768xf32>
    %reduce_sum3A = arith.constant dense<0.000000e+00> : vector<768xf32>
    %reduce_sum3A_2 = vector.multi_reduction <add>, %mul3A, %reduce_sum3A [0] : vector<256x768xf32> to vector<768xf32>
    %broadcast_in_dim3A = vector.shape_cast %reduce_sum3A_2 : vector<768xf32> to vector<1x768xf32>
    %sqrt3A = math.sqrt %broadcast_in_dim3A : vector<1x768xf32>
    %get3A_3 = arith.constant 0 : index
    %get3A_4 = arith.constant 0 : index
    %get3A_5 = vector.load %arg4[%get3A_3, %get3A_4] : memref<1x768xf32, #tpu.memory_space<vmem>>, vector<1x768xf32>
    %mul3A_6 = vector.broadcast %get3A_5 : vector<1x768xf32> to vector<256x768xf32>
    %mul3A_7 = arith.mulf %mul3A_6, %get3A_1 : vector<256x768xf32>
    %max3A = arith.constant 9.99999996E-13 : f32
    %max3A_8 = vector.broadcast %max3A : f32 to vector<1x768xf32>
    %max3A_9 = arith.maximumf %sqrt3A, %max3A_8 : vector<1x768xf32>
    %div3A = vector.broadcast %max3A_9 : vector<1x768xf32> to vector<256x768xf32>
    %div3A_10 = arith.divf %mul3A_7, %div3A : vector<256x768xf32>
    %get3A_11 = arith.constant 0 : index
    %get3A_12 = arith.constant 0 : index
    %get3A_13 = arith.constant 0 : index
    %get3A_14 = vector.load %arg1[%get3A_11, %get3A_12, %get3A_13] : memref<1x576x256xf32, #tpu.memory_space<vmem>>, vector<1x576x256xf32>
    %get3A_15 = vector.shape_cast %get3A_14 : vector<1x576x256xf32> to vector<576x256xf32>
    %get3A_16 = arith.constant 0 : index
    %get3A_17 = arith.constant 0 : index
    %get3A_18 = arith.constant 0 : index
    %get3A_19 = vector.load %arg2[%get3A_16, %get3A_17, %get3A_18] : memref<1x576x256xf32, #tpu.memory_space<vmem>>, vector<1x576x256xf32>
    %get3A_20 = vector.shape_cast %get3A_19 : vector<1x576x256xf32> to vector<576x256xf32>
    %sub3A = arith.subf %get3A_20, %get3A_15 : vector<576x256xf32>
    %add3A = arith.addf %get3A_15, %sub3A : vector<576x256xf32>
    %dot_general3A = arith.constant dense<0.000000e+00> : vector<576x768xf32>
    %dot_general3A_21 = tpu.matmul %add3A, %div3A_10, %dot_general3A {dimension_numbers = #tpu.dot_dimension_numbers<[1], [0], [0], [1], [0, 0, 1, 1], [], []>, transpose_lhs_hint = false} : vector<576x256xf32>, vector<256x768xf32>, vector<576x768xf32> -> vector<576x768xf32>
    %get3A_22 = arith.constant 0 : index
    %get3A_23 = arith.constant 0 : index
    %get3A_24 = vector.load %arg5[%get3A_22, %get3A_23] : memref<1x768xf32, #tpu.memory_space<vmem>>, vector<1x768xf32>
    %add3A_25 = vector.broadcast %get3A_24 : vector<1x768xf32> to vector<576x768xf32>
    %add3A_26 = arith.addf %dot_general3A_21, %add3A_25 : vector<576x768xf32>
    %broadcast_in_dim3A_27 = vector.shape_cast %add3A_26 : vector<576x768xf32> to vector<1x576x768xf32>
    %swap3A = arith.constant 0 : index
    %swap3A_28 = arith.constant 0 : index
    %swap3A_29 = arith.constant 0 : index
    %swap3A_30 = vector.load %arg6[%swap3A, %swap3A_28, %swap3A_29] : memref<1x576x768xf32, #tpu.memory_space<vmem>>, vector<1x576x768xf32>
    tpu.vector_store %arg6[%swap3A, %swap3A_28, %swap3A_29], %broadcast_in_dim3A_27 {strides = array<i32>} : memref<1x576x768xf32, #tpu.memory_space<vmem>>, vector<1x576x768xf32>,
    %sub3A_31 = arith.subf %get3A_15, %get3A_20 : vector<576x256xf32>
    %mul3A_32 = arith.mulf %sub3A_31, %sub3A_31 : vector<576x256xf32>
    %reduce_sum3A_33 = arith.constant dense<0.000000e+00> : vector<256xf32>
    %reduce_sum3A_34 = vector.multi_reduction <add>, %mul3A_32, %reduce_sum3A_33 [0] : vector<576x256xf32> to vector<256xf32>
    %broadcast_in_dim3A_35 = vector.shape_cast %reduce_sum3A_34 : vector<256xf32> to vector<1x256xf32>
    %broadcast_in_dim3A_36 = vector.shape_cast %broadcast_in_dim3A_35 : vector<1x256xf32> to vector<1x1x256xf32>
    %swap3A_37 = arith.constant 0 : index
    %swap3A_38 = arith.constant 0 : index
    %swap3A_39 = arith.constant 0 : index
    %swap3A_40 = vector.load %arg7[%swap3A_37, %swap3A_38, %swap3A_39] : memref<1x1x256xf32, #tpu.memory_space<vmem>>, vector<1x1x256xf32>
    tpu.vector_store %arg7[%swap3A_37, %swap3A_38, %swap3A_39], %broadcast_in_dim3A_36 {strides = array<i32>} : memref<1x1x256xf32, #tpu.memory_space<vmem>>, vector<1x1x256xf32>,
    return
  }
  func.func @transform_0(%arg0: i32) -> (i32, i32, i32) {
    %c0_i32 = arith.constant 0 : i32
    %c0_i32_0 = arith.constant 0 : i32
    %c0_i32_1 = arith.constant 0 : i32
    return %arg0, %c0_i32, %c0_i32_0 : i32, i32, i32
  }
  func.func @transform_1(%arg0: i32) -> (i32, i32, i32) {
    %c0_i32 = arith.constant 0 : i32
    %c0_i32_0 = arith.constant 0 : i32
    %c0_i32_1 = arith.constant 0 : i32
    return %arg0, %c0_i32, %c0_i32_0 : i32, i32, i32
  }
  func.func @transform_2(%arg0: i32) -> (i32, i32) {
    %c0_i32 = arith.constant 0 : i32
    %c0_i32_0 = arith.constant 0 : i32
    %c0_i32_1 = arith.constant 0 : i32
    return %c0_i32, %c0_i32_0 : i32, i32
  }
  func.func @transform_3(%arg0: i32) -> (i32, i32) {
    %c0_i32 = arith.constant 0 : i32
    %c0_i32_0 = arith.constant 0 : i32
    %c0_i32_1 = arith.constant 0 : i32
    return %c0_i32, %c0_i32_0 : i32, i32
  }
  func.func @transform_4(%arg0: i32) -> (i32, i32) {
    %c0_i32 = arith.constant 0 : i32
    %c0_i32_0 = arith.constant 0 : i32
    %c0_i32_1 = arith.constant 0 : i32
    return %c0_i32, %c0_i32_0 : i32, i32
  }
  func.func @transform_5(%arg0: i32) -> (i32, i32, i32) {
    %c0_i32 = arith.constant 0 : i32
    %c0_i32_0 = arith.constant 0 : i32
    %c0_i32_1 = arith.constant 0 : i32
    return %arg0, %c0_i32, %c0_i32_0 : i32, i32, i32
  }
  func.func @transform_6(%arg0: i32) -> (i32, i32, i32) {
    %c0_i32 = arith.constant 0 : i32
    %c0_i32_0 = arith.constant 0 : i32
    %c0_i32_1 = arith.constant 0 : i32
    return %arg0, %c0_i32, %c0_i32_0 : i32, i32, i32
  }
}

</mosaic_0001>

<sc_bundles>
// kernel: gather_offload_async_start
scs
__scs_entry_jumppad:
0x0: {  	(pc) =	sbr.rel $0x88, $3  }
0x1: {  	(tag) =	ssettag $0x0;
	lr =	simm.s32 $0x1  }
0x2: {  	[smem:$0x3F99] =	sst lr;
	_ =	strace $0xD0000000  }
0x3: {  	_ = 	snop  }
0x4: {  	_ = 	snop  }
0x5: {  	_ = 	snop  }
0x6: {  	_ = 	snop  }
0x7: {  	_ = 	snop  }
__scs_overlays_trampoline_lowered:
0x8: {  	[smem:$0x3FA8] =	sst s0  }
0x9: {  	[smem:$0x3FA9] =	sst s1  }
0xa: {  	[smem:$0x3FAA] =	sst s2  }
0xb: {  	[smem:$0x3FAB] =	sst s3  }
0xc: {  	[smem:$0x3FAC] =	sst s4  }
0xd: {  	[smem:$0x3FAD] =	sst s5  }
0xe: {  	[smem:$0x3FAE] =	sst s6  }
0xf: {  	[smem:$0x3FAF] =	sst s7  }
0x10: {  	[smem:$0x3FB0] =	sst s8  }
0x11: {  	[smem:$0x3FB1] =	sst s9;
	s0 =	simm.s32 @!p0 $0x0  }
0x12: {  	s1 =	sld [smem:$0x3F97];
	s0 =	simm.s32 @p0 $0x1  }
0x13: {  	[smem:$0x3FB2] =	sst s0;
	s0 =	simm.s32 @!p1 $0x0  }
0x14: {  	s2 =	sld [smem:$0x3F96];
	s0 =	simm.s32 @p1 $0x1  }
0x15: {  	[smem:$0x3FB3] =	sst s0;
	s0 =	simm.s32 @!p2 $0x0  }
0x16: {  	s3 =	sld [smem:$0x3FDB];
	s0 =	simm.s32 @p2 $0x1  }
0x17: {  	s4 =	simm.s32 $0x1BF5;
	[smem:$0x3FB5] =	sst s0  }
0x18: {  	s0 =	sld [smem:$0x3F98];
	_ =	swait.ge [sflag:s4], $0x0  }
0x19: {  	s7 =	sld [smem:$0x3F99]  }
0x1a: {  	s8 =	sadd.s32 $0xFFFFE003, lr  }
0x1b: {  	s9 =	sadd.s32 $0xFFFFFEF7, lr;
	s5 =	simm.s32 $0xFFFFFFFF;
	p2 =	slt.u32 s8, $0xFFFFF086  }
0x1c: {  	p1 =	slt.u32 s9, $0xF7A;
	s5 =	simm.s32 @!p2 $0x0  }
0x1d: {  	s5 =	simm.s32 @p1 $0x1;
	p0 =	seq.s32 s7, s2  }
0x1e: {  	s7 =	smul.u32 @!p0 $0xF7A, s2;
	p2 =	seq.s32 @!p0 s5, $0x0  }
0x1f: {  	s9 =	smul.u32 $0xF7A, s1;
	s8 =	simm.s32 @!p0 $0x1BF5;
	p2 =	por !p2, p0  }
0x20: {  	[sflag:s8] =	ssyncset.s32 @!p0 $0xFFFFF086;
	s6 =	sadd.s32 @!p0 s3, s7;
	s7 =	simm.s32 @!p0 $0x108  }
0x21: {  	s3 =	sadd.s32 s3, s9;
	s6 =	sadd.s32 @!p0 $0x88, s6;
	s7 =	simm.s32 @p2 $0x1082  }
0x22: {  	[simem:s7], [sflag:s8] =	dma.local @!p0 [hbm:s6], $0xF7A  }
0x23: {  	s9 =	sor.u32 $0xD0000000, s2;
	s6 =	simm.s32 $0x108;
	_ =	swait.ge @!p0 [sflag:s8], $0x0  }
0x24: {  	s3 =	sadd.s32 $0x88, s3;
	s6 =	simm.s32 @!p1 $0x1082;
	[sflag:s4] =	ssyncset.s32 $0xFFFFF086  }
0x25: {  	[simem:s6], [sflag:s4] =	dma.local [hbm:s3], $0xF7A  }
0x26: {  	[smem:$0x3F99] =	sst s1;
	(tag) =	ssettag s2;
	_ =	strace s9  }
0x27: {  	s1 =	sld [smem:$0x3FA9]  }
0x28: {  	s2 =	sld [smem:$0x3FAA]  }
0x29: {  	s4 =	sld [smem:$0x3FAC]  }
0x2a: {  	p0 =	seq.s32 s5, $0x0;
	s5 =	sld [smem:$0x3FAD]  }
0x2b: {  	s6 =	sld [smem:$0x3FAE]  }
0x2c: {  	s7 =	sld [smem:$0x3FAF]  }
0x2d: {  	s3 =	simm.s32 $0x108;
	s8 =	sld [smem:$0x3FB0]  }
0x2e: {  	s3 =	simm.s32 @!p0 $0x1082;
	s9 =	sld [smem:$0x3FB1]  }
0x2f: {  	lr =	sadd.s32 s0, s3;
	s0 =	sld [smem:$0x3FA8]  }
0x30: {  	s3 =	sld [smem:$0x3FAB]  }
0x31: {  	[smem:$0x3FB4] =	sst s10  }
0x32: {  	s10 =	sld [smem:$0x3FB2];
	_ =	sdelay $0x3  }
0x33: {  	p0 =	seq.s32 s10, $0x1;
	s10 =	sld [smem:$0x3FB4];
	_ =	sdelay $0x3  }
0x34: {  	[smem:$0x3FB4] =	sst s10  }
0x35: {  	s10 =	sld [smem:$0x3FB3];
	_ =	sdelay $0x3  }
0x36: {  	p1 =	seq.s32 s10, $0x1;
	s10 =	sld [smem:$0x3FB4];
	_ =	sdelay $0x3  }
0x37: {  	[smem:$0x3FB4] =	sst s10  }
0x38: {  	s10 =	sld [smem:$0x3FB5]  }
0x39: {  	_ = 	snop;
	(pc) =	sbr.ind lr, $3  }
0x3a: {  	_ = 	snop  }
0x3b: {  	_ = 	snop  }
0x3c: {  	p2 =	seq.s32 s10, $0x1;
	s10 =	sld [smem:$0x3FB4]  }
0x3d: {  	_ =	shalt  }
0x3e: {  	_ =	shalt  }
0x3f: {  	_ =	shalt  }
0x40: {  	_ =	shalt  }
0x41: {  	_ =	shalt  }
0x42: {  	_ =	shalt  }
0x43: {  	_ =	shalt  }
0x44: {  	_ =	shalt  }
0x45: {  	_ =	shalt  }
0x46: {  	_ =	shalt  }
0x47: {  	_ =	shalt  }
0x48: {  	_ =	shalt  }
0x49: {  	_ =	shalt  }
0x4a: {  	_ =	shalt  }
0x4b: {  	_ =	shalt  }
0x4c: {  	_ =	shalt  }
0x4d: {  	_ =	shalt  }
0x4e: {  	_ =	shalt  }
0x4f: {  	_ =	shalt  }
0x50: {  	_ =	shalt  }
0x51: {  	_ =	shalt  }
0x52: {  	_ =	shalt  }
0x53: {  	_ =	shalt  }
0x54: {  	_ =	shalt  }
0x55: {  	_ =	shalt  }
0x56: {  	_ =	shalt  }
0x57: {  	_ =	shalt  }
0x58: {  	_ =	shalt  }
0x59: {  	_ =	shalt  }
0x5a: {  	_ =	shalt  }
0x5b: {  	_ =	shalt  }
0x5c: {  	_ =	shalt  }
0x5d: {  	_ =	shalt  }
0x5e: {  	_ =	shalt  }
0x5f: {  	_ =	shalt  }
0x60: {  	_ =	shalt  }
0x61: {  	_ =	shalt  }
0x62: {  	_ =	shalt  }
0x63: {  	_ =	shalt  }
0x64: {  	_ =	shalt  }
0x65: {  	_ =	shalt  }
0x66: {  	_ =	shalt  }
0x67: {  	_ =	shalt  }
0x68: {  	_ =	shalt  }
0x69: {  	_ =	shalt  }
0x6a: {  	_ =	shalt  }
0x6b: {  	_ =	shalt  }
0x6c: {  	_ =	shalt  }
0x6d: {  	_ =	shalt  }
0x6e: {  	_ =	shalt  }
0x6f: {  	_ =	shalt  }
0x70: {  	_ =	shalt  }
0x71: {  	_ =	shalt  }
0x72: {  	_ =	shalt  }
0x73: {  	_ =	shalt  }
0x74: {  	_ =	shalt  }
0x75: {  	_ =	shalt  }
0x76: {  	_ =	shalt  }
0x77: {  	_ =	shalt  }
0x78: {  	_ =	shalt  }
0x79: {  	_ =	shalt  }
0x7a: {  	_ =	shalt  }
0x7b: {  	_ =	shalt  }
0x7c: {  	_ =	shalt  }
0x7d: {  	_ =	shalt  }
0x7e: {  	_ =	shalt  }
0x7f: {  	_ =	shalt  }
0x80: {  	_ =	shalt  }
0x81: {  	_ =	shalt  }
0x82: {  	_ =	shalt  }
0x83: {  	_ =	shalt  }
0x84: {  	_ =	shalt  }
0x85: {  	_ =	shalt  }
0x86: {  	_ =	shalt  }
0x87: {  	_ =	shalt  }
.Lfunc_end0:
.L_simem_size_0:
called_computation_lowered:
.L_overlay_start_0:
0x88: {  	s2 =	sld [smem:$0x3FD9]  }
0x89: {  	s3 =	sld [smem:$0x3FFE];
	_ =	sdelay $0x1  }
0x8a: {  	s1 =	srdreg.scid  }
0x8b: {  	s0 =	sand.u32 $0x1, s1  }
0x8c: {  	s14 =	sshll.u32 s0, $0xA;
	s2 =	sadd.s32 s3, s2  }
0x8d: {  	s2 =	sadd.s32 s2, s14  }
0x8e: {  	[smem:$0x3FC0] =	sst s2  }
0x8f: {  	_ = 	snop  }
0x90: {  	s2 =	sld [smem:$0x3FD0];
	_ =	sdelay $0x2  }
0x91: {  	s4 =	simm.s32 $0xA;
	s5 =	simm.s32 $0x10;
	s15 =	sld [smem:$0x3FC2]  }
0x92: {  	[smem:s5], [sflag:s4] =	dma.local [hbm:s2], $0x1  }
0x93: {  	_ =	swait.eq [sflag:s4], $0x1  }
0x94: {  	[sflag:s4] =	ssyncset.done $0x0  }
0x95: {  	[sflag:s4] =	ssyncadd.s32 $0xFFFFFFFF  }
0x96: {  	s16 =	sld [smem:$0x10];
	(tm) =	ssettm $0x1  }
0x97: {  	s17 =	sld [smem:$0x3FFB];
	_ =	sdelay $0x3  }
0x98: {  	_ =	strace s17  }
0x99: {  	s4 =	sld [smem:$0x3FFC];
	_ =	sdelay $0x3  }
0x9a: {  	_ =	strace s4  }
0x9b: {  	s4 =	sld [smem:$0x3FFD];
	_ =	sdelay $0x3  }
0x9c: {  	_ =	strace s4  }
0x9d: {  	_ =	strace $0x8FFFFFFF  }
0x9e: {  	s18 =	sld [smem:$0x3FDB];
	_ =	sdelay $0x1  }
0x9f: {  	s19 =	simm.s32 $_scs_section_size  }
0xa0: {  	s6 =	simm.s32 $_size__tile_overlayer_lowered;
	s7 =	simm.s32 $_tile_overlayer_lowered  }
0xa1: {  	s22 =	simm.s32 $0x1BFF;
	s21 =	sshll.u32 s7, $0x1;
	s4 =	sadd.s32 s19, s18  }
0xa2: {  	s8 =	simm.s32 $0x0;
	s20 =	sshll.u32 s6, $0x1;
	s6 =	sadd.s32 s21, s4  }
0xa3: {  	[timem:s8], [sflag:s22] =	dma.local [hbm:s6], s20  }
0xa4: {  	_ =	swait.ge [sflag:s22], s20  }
0xa5: {  	s5 =	ssub.s32 $0x0, s20;
	[sflag:s22] =	ssyncset.done $0x0  }
0xa6: {  	[sflag:s22] =	ssyncadd.s32 s5;
	_ =	sdelay $0x1  }
0xa7: {  	s23 =	simm.s32 $0x1B8B  }
0xa8: {  	_ =	swait.ge [sflag:s23], $0x1  }
0xa9: {  	[sflag:s23] =	ssyncset.done $0x0  }
0xaa: {  	s25 =	simm.s32 $0x1B8E;
	s24 =	sld [smem:$0x3FFE];
	[sflag:s23] =	ssyncadd.s32 $0xFFFFFFFF  }
0xab: {  	s26 =	simm.s32 $execute0_lowered;
	[smem:$0x3FD2] =	sst s25  }
0xac: {  	s6 =	sshll.u32 s26, $0x1;
	_ =	strace $0x80000046;
	[dreg:$0x1] =	wrdreg $0xFFFFFFFF  }
0xad: {  	s28 =	simm.s32 $_size_execute0_lowered;
	s4 =	sadd.s32 s4, s6;
	[dreg:$0x0] =	wrdreg $0x0  }
0xae: {  	s6 =	sshll.u32 s28, $0x1;
	[dreg:$0x2] =	wrdreg s4  }
0xaf: {  	[dreg:$0x3] =	wrdreg s6  }
0xb0: {  	[dreg:$0x4] =	wrdreg $0xC0  }
0xb1: {  	_ =	task [dreg:s8], $0x5FFFF  }
0xb2: {  	[dreg:$0x1] =	wrdreg $0xFFFFFFFF  }
0xb3: {  	[dreg:$0x0] =	wrdreg $0x60  }
0xb4: {  	[dreg:$0x2] =	wrdreg s15  }
0xb5: {  	[dreg:$0x3] =	wrdreg s24  }
0xb6: {  	[dreg:$0x4] =	wrdreg s16  }
0xb7: {  	[dreg:$0x5] =	wrdreg $0x9  }
0xb8: {  	_ =	task.clear_ibuf [dreg:s8], $0x6FFFF;
	_ =	strace $0x90000046  }
0xb9: {  	s29 =	simm.s32 $0x9;
	_ =	strace $0x80000048  }
0xba: {  	_ =	swait.ge [sflag:s29], $0x1  }
0xbb: {  	[sflag:s29] =	ssyncadd.s32 $0xFFFFFFFF  }
0xbc: {  	_ =	strace $0x90000048  }
0xbd: {  	_ =	sfence  }
0xbe: {  	s30 =	sld [smem:$0x0];
	_ =	sdelay $0x2  }
0xbf: {  	s31 =	sshll.u32 s1, $0xD;
	s1 =	sshrl.u32 s1, $0x2  }
0xc0: {  	s3 =	sand.u32 $0x4000, s31;
	s1 =	sadd.s32 s1, s30  }
0xc1: {  	s0 =	sor.u32 s3, s0;
	s1 =	sshll.u32 s1, $0x11  }
0xc2: {  	s0 =	sor.u32 s1, s0  }
0xc3: {  	s0 =	sadd.s32 $0x8F2B, s0  }
0xc4: {  	[sflag:s0] =	ssyncadd.remote.s32 $0x1  }
0xc5: {  	_ =	sfence.sel $0xFFFF  }
0xc6: {  	[dreg:$0x0] =	wrdreg $0xFFFFFFFF;
	(pc) =	sbr.abs _section_cstart, $3  }
0xc7: {  	[dreg:$0x1] =	wrdreg $0xFFFFFFFF  }
0xc8: {  	_ =	task.clear_ibuf [dreg:s8], $0x2FFFF;
	_ =	strace $0x9FFFFFFF  }
0xc9: {  	(tm) =	ssettm $0x7FFFFFFF  }
tec
execute0_lowered:
.L_overlay_start_1:
0x0: {  	(tag) =	ssettag $0x1  }
0x1: {  	s0 =	srdreg.scid  }
0x2: {  	s1 =	sshll.u32 s0, $0x4  }
0x3: {  	s0 =	stileid.u32;
	s1 =	sand.u32 $0x10, s1  }
0x4: {  	s2 =	sor.u32 s0, s1  }
0x5: {  	s3 =	smin.u32 s2, $0x10  }
0x6: {  	s1 =	sshrl.u32 s1, $0x4;
	s2 =	sadd.s32 s2, s3  }
0x7: {  	s1 =	ssub.s32 s2, s1  }
0x8: {  	s1 =	smul.u32 $0xC0, s1;
	_ =	sdelay $0x1  }
0x9: {  	s2 =	smul.u32 $0xC0, s2;
	s1 =	sadd.s32 $0x180, s1  }
0xa: {  	s3 =	smin.u32 s1, $0x2400  }
0xb: {  	s8 =	ssub.s32 s3, s2  }
0xc: {  	p0 =	sgt.s32 s8, $0x0  }
0xd: {  	s8 =	simm.s32 @!p0 $0x0  }
0xe: {  	s4 =	rddreg [dreg:$0x0];
	s31 =	smul.u32 $0xAAAB, s8  }
0xf: {  	s5 =	rddreg [dreg:$0x1]  }
0x10: {  	s6 =	rddreg [dreg:$0x2];
	s7 =	simm.s32 $0x1;
	s9 =	sshrl.u32 s31, $0x17  }
0x11: {  	s11 =	simm.s32 $0x3;
	s13 =	simm.s32 $0x0;
	s10 =	smul.u32 $0xC0, s9  }
.Ltmp0:
0x12: {  	s12 =	simm.s32 $0x0;
	s1 =	rddreg [dreg:$0x3];
	(pc) =	sbr.rel .LBB2_1-.Ltmp0, $4  }
0x13: {  	_ =	strace $0x80000047;
	p0 =	sne.s32 s8, s10;
	s10 =	simm.s32 $0x1  }
0x14: {  	[sflag:s7] =	ssyncpa.u1 $0x0;
	s8 =	simm.s32 $0x2;
	s10 =	simm.s32 @!p0 $0x0  }
0x15: {  	[sflag:s8] =	ssyncpa.u1 $0x0;
	p0 =	por $0x0, $0x0;
	s9 =	sadd.s32 s9, s10  }
0x16: {  	vm0 =	vmmov $0xff;
	vm1 =	vcmask $0x3F20;
	[sflag:s11] =	ssyncpa.u1 $0x0;
	s11 =	smov.u32 s2;
	s10 =	sadd.s32 $0x1, s9  }
.LBB2_8:
0x17: {  	[hbm:s17] =	stream.linear.scatter [tilespmem:s14], [sflag:$0x3], $0x800, $0x38;
	[tilespmem:$0x18180] =	vst v63  }
.LBB2_9:
0x18: {  	s13 =	sadd.s32 $0xC0, s11  }
0x19: {  	s15 =	smov.u32 s2;
	p2 =	slt.s32 s13, s3  }
0x1a: {  	s15 =	smov.u32 @p2 s13;
	p2 =	sne.s32 s12, s10  }
.Ltmp1:
0x1b: {  	p1 =	slt.u32 s12, $0x2;
	(pc) =	sbr.rel @!p2 .LBB2_10-.Ltmp1, $4  }
0x1c: {  	s14 =	simm.s32 @!p1 $0x3  }
0x1d: {  	s16 =	sadd.s32 $0x1, s12;
	_ =	swait.ge @!p1 [sflag:s14], $0xC000  }
0x1e: {  	p0 =	por !p0, !p0;
	s13 =	smov.u32 s11;
	[sflag:s14] =	ssyncset.done @!p1 $0x0  }
0x1f: {  	s12 =	smov.u32 s16;
	s11 =	smov.u32 s15;
	[sflag:s14] =	ssyncadd.s32 @!p1 $0xFFFF4000  }
.LBB2_1:
0x20: {  	p1 =	sge.u32 s12, s9  }
0x21: {  	s14 =	sxor.u32 @!p1 $0xFFFFFFFF, s12  }
0x22: {  	s14 =	sand.u32 @!p1 $0x1, s14  }
0x23: {  	s14 =	smul.u32 @!p1 $0x300, s14  }
0x24: {  	s31 =	sadd.s32 $0xFFFFFFFF, s12;
	s15 =	sshrl.u32 @!p1 s11, $0x3  }
0x25: {  	s16 =	sand.u32 @!p1 $0x7, s11;
	s15 =	sadd.s32 @!p1 s5, s15;
	s14 =	sshrl.u32 @!p1 s14, $0x2  }
0x26: {  	[tilespmem:s14], [sflag:$0x2] =	stream.linear.gather @!p1 [hbm4b:s15+s16], $0xC0, $0x38;
	[tilespmem:$0x18180] =	vst v63  }
0x27: {  	p1 =	sge.u32 s31, s9  }
.Ltmp2:
0x28: {  	_ = 	snop;
	(pc) =	sbr.rel @p1 .LBB2_9-.Ltmp2, $1  }
0x29: {  	_ =	sdelay $0x3  }
0x2a: {  	s14 =	simm.s32 $0x1;
	s15 =	sand.u32 $0x1, s12  }
0x2b: {  	s14 =	simm.s32 @!p0 $0x0;
	s16 =	smul.u32 $0x30000, s15  }
0x2c: {  	_ =	swait.ge [sflag:s8], $0xC0;
	s14 =	smul.u32 $0x30000, s14  }
0x2d: {  	s17 =	simm.s32 $0x0;
	[sflag:s8] =	ssyncset.done $0x0;
	s15 =	smul.u32 $0x300, s15  }
0x2e: {  	[sflag:s8] =	ssyncadd.s32 $0xFFFFFF40;
	s16 =	sshrl.u32 s16, $0x2;
	s14 =	sshrl.u32 s14, $0x2  }
0x2f: {  	s15 =	sshrl.u32 s15, $0x2;
	s16 =	sor.u32 $0x180, s16;
	s14 =	sor.u32 $0x180, s14  }
.LBB2_3:
0x30: {  	s18 =	sshll.u32 s17, $0x4  }
0x31: {  	s18 =	sand.u32 $0x3FFFFFF0, s18  }
0x32: {  	s18 =	sadd.s32 s18, s15  }
0x33: {  	v0 =	vld.msk [tilespmem:s18+$0x0 ss:$0x1], $0xffff;
	_ =	sdelay $0x4  }
0x34: {  	vm2 =	vgt.s32 v0, $0x0  }
0x35: {  	v0 =	vnsel vm2, $0x0, v0  }
0x36: {  	v0 =	vmin.u32 v0, $0x1FFF  }
0x37: {  	s31 =	sshll.u32 s17, $0xC;
	v1 =	vshll.u32 v0, $0x5;
	v0 =	vshll.u32 v0, $0x4  }
0x38: {  	s18 =	sand.u32 $0x3FFFF000, s31;
	v1 =	vand.u32 $0x3FF00, v1;
	v0 =	vand.u32 $0x70, v0  }
0x39: {  	p1 =	por $0x1, $0x1;
	s19 =	simm.s32 $0x0;
	s18 =	sadd.s32 s18, s16;
	v0 =	vor.u32 v0, v1  }
.LBB2_4:
0x3a: {  	_ =	sdelay $0x1  }
0x3b: {  	s19 =	sshra.s32 s19, $0x2;
	p2 =	por p1, p1  }
.Ltmp3:
0x3c: {  	s19 =	sadd.s32 s19, s18;
	(pc) =	sbr.rel @p2 .LBB2_4-.Ltmp3, $4  }
0x3d: {  	[tilespmem:s19], [sflag:$0x1] =	stream.indirect_vreg.gather [hbm:s4], $0x80, v0, vm0, $0x38;
	[tilespmem:$0x18180] =	vst v63  }
0x3e: {  	s19 =	sadd.s32 $0x800, s19  }
0x3f: {  	[tilespmem:s19], [sflag:$0x1] =	stream.indirect_vreg.gather [hbm:s4], $0x80, v0, vm1, $0x38;
	[tilespmem:$0x18180] =	vst v63  }
0x40: {  	p1 =	por $0x0, $0x0;
	v0 =	vadd.s32 $0x80, v0;
	s19 =	simm.s32 $0x1000  }
0x41: {  	s17 =	sadd.s32 $0x1, s17  }
0x42: {  	p1 =	sne.s32 s17, $0xC  }
.Ltmp4:
0x43: {  	_ = 	snop;
	(pc) =	sbr.rel @p1 .LBB2_3-.Ltmp4, $1  }
0x44: {  	_ =	sdelay $0x3  }
0x45: {  	s15 =	sshll.u32 s13, $0x5  }
0x46: {  	s31 =	sshll.u32 s13, $0x4;
	s15 =	sand.u32 $0xFFFFFF00, s15  }
0x47: {  	_ =	swait.ge [sflag:s7], $0xC000;
	s13 =	sand.u32 $0x70, s31;
	s15 =	sadd.s32 s15, s6  }
0x48: {  	s16 =	sadd.s32 $0x800, s14;
	[sflag:s7] =	ssyncset.done $0x0;
	s13 =	sadd.s32 s13, s15  }
0x49: {  	[sflag:s7] =	ssyncadd.s32 $0xFFFF4000;
	s15 =	simm.s32 $0x100;
	s17 =	sadd.s32 $0x0, s13  }
.LBB2_7:
0x4a: {  	[hbm:s17] =	stream.linear.scatter [tilespmem:s14], [sflag:$0x3], $0x800, $0x38;
	[tilespmem:$0x18180] =	vst v63  }
0x4b: {  	s17 =	smov.u32 s15;
	s14 =	smov.u32 s16;
	p1 =	sne.s32 s15, $0x1700  }
.Ltmp5:
0x4c: {  	s15 =	sadd.s32 $0x100, s15;
	(pc) =	sbr.rel @p1 .LBB2_7-.Ltmp5, $2  }
0x4d: {  	_ =	sdelay $0x2  }
0x4e: {  	s16 =	sadd.s32 $0x800, s16;
	s17 =	sadd.s32 s17, s13  }
.Ltmp6:
0x4f: {  	_ = 	snop;
	(pc) =	sbr.rel .LBB2_8-.Ltmp6, $1  }
0x50: {  	_ =	sdelay $0x3  }
.LBB2_10:
0x51: {  	_ =	sfence.sel $0x180000  }
0x52: {  	s2 =	simm.s32 $0x2;
	[bflag:$0x0] =	sbarrier.arrive $0xFFFF  }
0x53: {  	s30 =	simm.s32 $0x3;
	[sflag:s2] =	ssyncpa.u1 $0x1  }
0x54: {  	s31 =	simm.s32 $0x1;
	[sflag:s30] =	ssyncpa.u1 $0x1  }
0x55: {  	[sflag:s31] =	ssyncpa.u1 $0x1  }
0x56: {  	p0 =	sne.s32 s0, $0x0;
	_ =	strace $0x90000047  }
0x57: {  	s0 =	sadd.s32 @!p0 $0x100000, s1;
	[bflag:$0x2] =	sbarrier.arrive $0xFFFF  }
0x58: {  	[sflag:s0] =	ssyncadd.tile.s32 @!p0 $0x1;
	_ =	shalt  }
.Lfunc_end2:
_tile_overlayer_lowered:
.L_overlay_start_2:
0x59: {  	(tag) =	ssettag $0x2  }
0x5a: {  	s0 =	rddreg [dreg:$0x0];
	s2 =	stileid.u32  }
0x5b: {  	s1 =	rddreg [dreg:$0x1];
	p0 =	sne.s32 s2, $0x0  }
0x5c: {  	s3 =	rddreg [dreg:$0x2];
	[bflag:$0x3] =	sbarrier.arrive $0xFFFF;
	s2 =	simm.s32 @!p0 $0x1C01  }
0x5d: {  	[timem:s3], [sflag:s2] =	dma.local @!p0 [hbm:s0], s1  }
0x5e: {  	s0 =	simm.s32 @!p0 $0x1  }
0x5f: {  	_ =	swait.ge @!p0 [sflag:s0], s1  }
0x60: {  	s1 =	ssub.s32 @!p0 $0x0, s1;
	[sflag:s0] =	ssyncset.done @!p0 $0x0  }
0x61: {  	[sflag:s0] =	ssyncadd.s32 @!p0 s1  }
0x62: {  	[bflag:$0x3] =	sbarrier.arrive $0xFFFF  }
0x63: {  	_ =	shalt  }

</sc_bundles>
